<compile_context>
chip_gen: v7x
topology: tpu7x:2x2x1
jax: 0.10.2.dev20260603
libtpu: 0.0.44.dev20260713+nightly
codegen_flags: <defaults>
</compile_context>

<pallas_src>
import functools

import jax
import jax.numpy as jnp
from jax import lax
from jax.experimental import pallas as pl
from jax.experimental.pallas import tpu as pltpu
from jax.experimental.pallas import tpu_sc as plsc

_NUM_CODES = 8192
_DIM = 32
_BR = 256



def _argmin_body(nr, n_total, z_ref, cbt_ref, codes_ref, loss_ref, acc_ref):
    i = pl.program_id(0)
    z = z_ref[...]
    cbt = cbt_ref[...]
    dot = lax.dot_general(
        z, cbt, (((1,), (0,)), ((), ())),
        preferred_element_type=jnp.float32,
    )
    cn = jnp.sum(cbt * cbt, axis=0, keepdims=True)
    zn = jnp.sum(z * z, axis=1, keepdims=True)
    d = (zn - 2.0 * dot) + cn
    m = jnp.min(d, axis=1, keepdims=True)
    cols = lax.broadcasted_iota(jnp.int32, d.shape, 1)
    idx = jnp.min(jnp.where(d == m, cols, _NUM_CODES), axis=1, keepdims=True)
    codes_ref[0] = idx

    @pl.when(i == 0)
    def _init():
        acc_ref[...] = jnp.zeros((1, 1), jnp.float32)

    acc_ref[...] += jnp.sum(m).reshape(1, 1)

    @pl.when(i == nr - 1)
    def _fin():
        loss_ref[...] = acc_ref[...] * (0.5 / (n_total * _DIM))


def _codes_and_loss(z_flat, codebook):
    n = z_flat.shape[0]
    nr = n // _BR
    cb_t = codebook.T
    codes3, loss = pl.pallas_call(
        functools.partial(_argmin_body, nr, n),
        grid=(nr,),
        in_specs=[
            pl.BlockSpec((_BR, _DIM), lambda i: (i, 0)),
            pl.BlockSpec((_DIM, _NUM_CODES), lambda i: (0, 0)),
        ],
        out_specs=[
            pl.BlockSpec((1, _BR, 1), lambda i: (i, 0, 0)),
            pl.BlockSpec((1, 1), lambda i: (0, 0)),
        ],
        out_shape=[
            jax.ShapeDtypeStruct((nr, _BR, 1), jnp.int32),
            jax.ShapeDtypeStruct((1, 1), jnp.float32),
        ],
        scratch_shapes=[pltpu.VMEM((1, 1), jnp.float32)],
    )(z_flat, cb_t)
    return codes3.reshape(-1), loss.reshape(())



_NC = 2
_NS = 16
_NW = _NC * _NS
_GCHUNK = 128


def _make_gather(n):
    b_per_w = n // _NW
    nchunk = b_per_w // _GCHUNK
    mesh = plsc.VectorSubcoreMesh(core_axis_name="c", subcore_axis_name="s")

    @functools.partial(
        pl.kernel,
        mesh=mesh,
        out_type=jax.ShapeDtypeStruct((n, _DIM), jnp.float32),
        scratch_types=[
            pltpu.VMEM((b_per_w,), jnp.int32),
            pltpu.VMEM((b_per_w, _DIM), jnp.float32),
            pltpu.SemaphoreType.DMA,
        ],
        compiler_params=pltpu.CompilerParams(use_tc_tiling_on_sc=False),
    )
    def gather(table_hbm, idx_hbm, out_hbm, idx_v, rows_v, sem):
        wid = lax.axis_index("s") * _NC + lax.axis_index("c")
        base = wid * b_per_w
        pltpu.sync_copy(idx_hbm.at[pl.ds(base, b_per_w)], idx_v)
        copies = []
        for t in range(nchunk):
            copies.append(pltpu.async_copy(
                table_hbm.at[idx_v.at[pl.ds(t * _GCHUNK, _GCHUNK)]],
                rows_v.at[pl.ds(t * _GCHUNK, _GCHUNK)],
                sem,
            ))
        for c in copies:
            c.wait()
        pltpu.sync_copy(rows_v, out_hbm.at[pl.ds(base, b_per_w)])

    return gather




def kernel(z, codebook):
    b, c, p, d = z.shape
    z_flat = z.reshape(-1, d)
    codes_flat, total_loss = _codes_and_loss(z_flat, codebook)
    z_q = _make_gather(z_flat.shape[0])(codebook, codes_flat)
    z_q_st = z_q.reshape(z.shape)
    codes = codes_flat.reshape(b, c, p)
    return (z_q_st, total_loss, codes)

# --- scband reference (transcript-rebuilt; emitter-appended) ---
"""Pipeline reference for scband-vector-quantizer-ema-83648783057671 (READ-ONLY COPY).

The authoritative reference and input builder live on the scoring server;
editing this copy changes nothing except your own understanding.
"""

import jax, jax.numpy as jnp
import numpy as np

NUM_CODES = 8192
DIM = 32
COMMITMENT_WEIGHT = 0.25


def setup_inputs(seed: int = 0) -> dict:
    key = jax.random.key(seed)
    k1, k2 = jax.random.split(key)
    z = jax.random.normal(k1, (8, 4, 1024, DIM), dtype=jnp.float32)
    codebook = jax.random.normal(k2, (NUM_CODES, DIM), dtype=jnp.float32) * (1.0 / np.sqrt(DIM))
    return {"z": z, "codebook": codebook}


def reference(z, codebook):
    B, C, P, D = z.shape
    z_flat = z.reshape(-1, D)
    # squared euclidean distances: ||z||^2 - 2 z.c + ||c||^2
    dist = (
        jnp.sum(z_flat ** 2, axis=1, keepdims=True)
        - 2.0 * (z_flat @ codebook.T)
        + jnp.sum(codebook ** 2, axis=1)[None, :]
    )
    codes = jnp.argmin(dist, axis=1)
    z_q = jnp.take(codebook, codes, axis=0).reshape(B, C, P, D)
    commit_loss = COMMITMENT_WEIGHT * jnp.mean((jax.lax.stop_gradient(z_q) - z) ** 2)
    codebook_loss = jnp.mean((z_q - jax.lax.stop_gradient(z)) ** 2)
    z_q_st = z + jax.lax.stop_gradient(z_q - z)
    total_loss = commit_loss + 0.25 * codebook_loss
    codes = codes.reshape(B, C, P)
    return (z_q_st, total_loss, codes)

if __name__ == "__main__":
    import jax
    _d = setup_inputs()
    print(jax.jit(kernel)(*tuple(_d.values())))

</pallas_src>

<mosaic_0001>
#map = affine_map<(d0, d1) -> (0, 0)>
#map1 = affine_map<(d0, d1) -> (0)>
module attributes {stable_mosaic.version = 14 : i64} {
  func.func @gather(%arg0: i32, %arg1: i32, %arg2: memref<8192x32xf32, #tpu.memory_space<hbm>>, %arg3: memref<32768xi32, #tpu.memory_space<hbm>>, %arg4: memref<32768x32xf32, #tpu.memory_space<hbm>>, %arg5: memref<1024xi32, #tpu.memory_space<vmem>>, %arg6: memref<1024x32xf32, #tpu.memory_space<vmem>>, %arg7: memref<!tpu.dma_semaphore, #tpu.memory_space<semaphore_mem>>) attributes {dimension_semantics = [#tpu.dimension_semantics<core_parallel>, #tpu.dimension_semantics<subcore_parallel>], iteration_bounds = array<i64: 2, 16>, scalar_prefetch = 0 : i64, scratch_operands = 3 : i64, tpu.core_type = #tpu.core_type<sc_vector_subcore>, window_params = [{transform_indices = #map}, {transform_indices = #map1}, {transform_indices = #map}]} {
    %mul3A = arith.constant 2 : i32
    %mul3A_0 = arith.muli %arg1, %mul3A : i32
    %add3A = arith.addi %mul3A_0, %arg0 : i32
    %mul3A_1 = arith.constant 1024 : i32
    %mul3A_2 = arith.muli %add3A, %mul3A_1 : i32
    "tpu.region"() ({
      %run_scoped3A = tpu.sem_alloc : memref<!tpu.dma_semaphore, #tpu.memory_space<semaphore_mem>>
      %dma_start3A_129 = tpu.memref_slice %arg3[%mul3A_2] : memref<32768xi32, #tpu.memory_space<hbm>> -> memref<1024xi32, #tpu.memory_space<hbm>>
      %dma_start3A_130 = tpu.memref_slice %arg3[%mul3A_2] : memref<32768xi32, #tpu.memory_space<hbm>> -> memref<1024xi32, #tpu.memory_space<hbm>>
      tpu.enqueue_dma source(%dma_start3A_130 : memref<1024xi32, #tpu.memory_space<hbm>>) target(%arg5 : memref<1024xi32, #tpu.memory_space<vmem>>) target_semaphore(%run_scoped3A : memref<!tpu.dma_semaphore, #tpu.memory_space<semaphore_mem>>)
      %dma_wait3A_131 = tpu.memref_slice %arg3[%mul3A_2] : memref<32768xi32, #tpu.memory_space<hbm>> -> memref<1024xi32, #tpu.memory_space<hbm>>
      %dma_wait3A_132 = tpu.memref_slice %arg3[%mul3A_2] : memref<32768xi32, #tpu.memory_space<hbm>> -> memref<1024xi32, #tpu.memory_space<hbm>>
      tpu.wait_dma2 semaphore(%run_scoped3A : memref<!tpu.dma_semaphore, #tpu.memory_space<semaphore_mem>>) src(%dma_wait3A_132 : memref<1024xi32, #tpu.memory_space<hbm>>) dst(%arg5 : memref<1024xi32, #tpu.memory_space<vmem>>)
      tpu.yield
    }) : () -> ()
    %dma_start3A = arith.constant 0 : i32
    %dma_start3A_3 = arith.constant 0 : i32
    %dma_start3A_4 = tpu.memref_slice %arg6[%dma_start3A, %dma_start3A_3] : memref<1024x32xf32, #tpu.memory_space<vmem>> -> memref<128x32xf32, #tpu.memory_space<vmem>>
    %dma_start3A_5 = arith.constant 0 : i32
    %dma_start3A_6 = tpu.memref_slice %arg5[%dma_start3A_5] : memref<1024xi32, #tpu.memory_space<vmem>> -> memref<128xi32, #tpu.memory_space<vmem>>
    %dma_start3A_7 = arith.constant 0 : i32
    %dma_start3A_8 = arith.constant 0 : i32
    %dma_start3A_9 = tpu.memref_slice %arg2[%dma_start3A_7, %dma_start3A_8] : memref<8192x32xf32, #tpu.memory_space<hbm>> -> memref<8192x32xf32, #tpu.memory_space<hbm>>
    tpu.enqueue_indirect_dma source(%dma_start3A_9 : memref<8192x32xf32, #tpu.memory_space<hbm>>) target(%dma_start3A_4 : memref<128x32xf32, #tpu.memory_space<vmem>>) offsets(%dma_start3A_6 : memref<128xi32, #tpu.memory_space<vmem>>) semaphore(%arg7 : memref<!tpu.dma_semaphore, #tpu.memory_space<semaphore_mem>>)
    %dma_start3A_10 = arith.constant 128 : i32
    %dma_start3A_11 = arith.constant 0 : i32
    %dma_start3A_12 = tpu.memref_slice %arg6[%dma_start3A_10, %dma_start3A_11] : memref<1024x32xf32, #tpu.memory_space<vmem>> -> memref<128x32xf32, #tpu.memory_space<vmem>>
    %dma_start3A_13 = arith.constant 128 : i32
    %dma_start3A_14 = tpu.memref_slice %arg5[%dma_start3A_13] : memref<1024xi32, #tpu.memory_space<vmem>> -> memref<128xi32, #tpu.memory_space<vmem>>
    %dma_start3A_15 = arith.constant 0 : i32
    %dma_start3A_16 = arith.constant 0 : i32
    %dma_start3A_17 = tpu.memref_slice %arg2[%dma_start3A_15, %dma_start3A_16] : memref<8192x32xf32, #tpu.memory_space<hbm>> -> memref<8192x32xf32, #tpu.memory_space<hbm>>
    tpu.enqueue_indirect_dma source(%dma_start3A_17 : memref<8192x32xf32, #tpu.memory_space<hbm>>) target(%dma_start3A_12 : memref<128x32xf32, #tpu.memory_space<vmem>>) offsets(%dma_start3A_14 : memref<128xi32, #tpu.memory_space<vmem>>) semaphore(%arg7 : memref<!tpu.dma_semaphore, #tpu.memory_space<semaphore_mem>>)
    %dma_start3A_18 = arith.constant 256 : i32
    %dma_start3A_19 = arith.constant 0 : i32
    %dma_start3A_20 = tpu.memref_slice %arg6[%dma_start3A_18, %dma_start3A_19] : memref<1024x32xf32, #tpu.memory_space<vmem>> -> memref<128x32xf32, #tpu.memory_space<vmem>>
    %dma_start3A_21 = arith.constant 256 : i32
    %dma_start3A_22 = tpu.memref_slice %arg5[%dma_start3A_21] : memref<1024xi32, #tpu.memory_space<vmem>> -> memref<128xi32, #tpu.memory_space<vmem>>
    %dma_start3A_23 = arith.constant 0 : i32
    %dma_start3A_24 = arith.constant 0 : i32
    %dma_start3A_25 = tpu.memref_slice %arg2[%dma_start3A_23, %dma_start3A_24] : memref<8192x32xf32, #tpu.memory_space<hbm>> -> memref<8192x32xf32, #tpu.memory_space<hbm>>
    tpu.enqueue_indirect_dma source(%dma_start3A_25 : memref<8192x32xf32, #tpu.memory_space<hbm>>) target(%dma_start3A_20 : memref<128x32xf32, #tpu.memory_space<vmem>>) offsets(%dma_start3A_22 : memref<128xi32, #tpu.memory_space<vmem>>) semaphore(%arg7 : memref<!tpu.dma_semaphore, #tpu.memory_space<semaphore_mem>>)
    %dma_start3A_26 = arith.constant 384 : i32
    %dma_start3A_27 = arith.constant 0 : i32
    %dma_start3A_28 = tpu.memref_slice %arg6[%dma_start3A_26, %dma_start3A_27] : memref<1024x32xf32, #tpu.memory_space<vmem>> -> memref<128x32xf32, #tpu.memory_space<vmem>>
    %dma_start3A_29 = arith.constant 384 : i32
    %dma_start3A_30 = tpu.memref_slice %arg5[%dma_start3A_29] : memref<1024xi32, #tpu.memory_space<vmem>> -> memref<128xi32, #tpu.memory_space<vmem>>
    %dma_start3A_31 = arith.constant 0 : i32
    %dma_start3A_32 = arith.constant 0 : i32
    %dma_start3A_33 = tpu.memref_slice %arg2[%dma_start3A_31, %dma_start3A_32] : memref<8192x32xf32, #tpu.memory_space<hbm>> -> memref<8192x32xf32, #tpu.memory_space<hbm>>
    tpu.enqueue_indirect_dma source(%dma_start3A_33 : memref<8192x32xf32, #tpu.memory_space<hbm>>) target(%dma_start3A_28 : memref<128x32xf32, #tpu.memory_space<vmem>>) offsets(%dma_start3A_30 : memref<128xi32, #tpu.memory_space<vmem>>) semaphore(%arg7 : memref<!tpu.dma_semaphore, #tpu.memory_space<semaphore_mem>>)
    %dma_start3A_34 = arith.constant 512 : i32
    %dma_start3A_35 = arith.constant 0 : i32
    %dma_start3A_36 = tpu.memref_slice %arg6[%dma_start3A_34, %dma_start3A_35] : memref<1024x32xf32, #tpu.memory_space<vmem>> -> memref<128x32xf32, #tpu.memory_space<vmem>>
    %dma_start3A_37 = arith.constant 512 : i32
    %dma_start3A_38 = tpu.memref_slice %arg5[%dma_start3A_37] : memref<1024xi32, #tpu.memory_space<vmem>> -> memref<128xi32, #tpu.memory_space<vmem>>
    %dma_start3A_39 = arith.constant 0 : i32
    %dma_start3A_40 = arith.constant 0 : i32
    %dma_start3A_41 = tpu.memref_slice %arg2[%dma_start3A_39, %dma_start3A_40] : memref<8192x32xf32, #tpu.memory_space<hbm>> -> memref<8192x32xf32, #tpu.memory_space<hbm>>
    tpu.enqueue_indirect_dma source(%dma_start3A_41 : memref<8192x32xf32, #tpu.memory_space<hbm>>) target(%dma_start3A_36 : memref<128x32xf32, #tpu.memory_space<vmem>>) offsets(%dma_start3A_38 : memref<128xi32, #tpu.memory_space<vmem>>) semaphore(%arg7 : memref<!tpu.dma_semaphore, #tpu.memory_space<semaphore_mem>>)
    %dma_start3A_42 = arith.constant 640 : i32
    %dma_start3A_43 = arith.constant 0 : i32
    %dma_start3A_44 = tpu.memref_slice %arg6[%dma_start3A_42, %dma_start3A_43] : memref<1024x32xf32, #tpu.memory_space<vmem>> -> memref<128x32xf32, #tpu.memory_space<vmem>>
    %dma_start3A_45 = arith.constant 640 : i32
    %dma_start3A_46 = tpu.memref_slice %arg5[%dma_start3A_45] : memref<1024xi32, #tpu.memory_space<vmem>> -> memref<128xi32, #tpu.memory_space<vmem>>
    %dma_start3A_47 = arith.constant 0 : i32
    %dma_start3A_48 = arith.constant 0 : i32
    %dma_start3A_49 = tpu.memref_slice %arg2[%dma_start3A_47, %dma_start3A_48] : memref<8192x32xf32, #tpu.memory_space<hbm>> -> memref<8192x32xf32, #tpu.memory_space<hbm>>
    tpu.enqueue_indirect_dma source(%dma_start3A_49 : memref<8192x32xf32, #tpu.memory_space<hbm>>) target(%dma_start3A_44 : memref<128x32xf32, #tpu.memory_space<vmem>>) offsets(%dma_start3A_46 : memref<128xi32, #tpu.memory_space<vmem>>) semaphore(%arg7 : memref<!tpu.dma_semaphore, #tpu.memory_space<semaphore_mem>>)
    %dma_start3A_50 = arith.constant 768 : i32
    %dma_start3A_51 = arith.constant 0 : i32
    %dma_start3A_52 = tpu.memref_slice %arg6[%dma_start3A_50, %dma_start3A_51] : memref<1024x32xf32, #tpu.memory_space<vmem>> -> memref<128x32xf32, #tpu.memory_space<vmem>>
    %dma_start3A_53 = arith.constant 768 : i32
    %dma_start3A_54 = tpu.memref_slice %arg5[%dma_start3A_53] : memref<1024xi32, #tpu.memory_space<vmem>> -> memref<128xi32, #tpu.memory_space<vmem>>
    %dma_start3A_55 = arith.constant 0 : i32
    %dma_start3A_56 = arith.constant 0 : i32
    %dma_start3A_57 = tpu.memref_slice %arg2[%dma_start3A_55, %dma_start3A_56] : memref<8192x32xf32, #tpu.memory_space<hbm>> -> memref<8192x32xf32, #tpu.memory_space<hbm>>
    tpu.enqueue_indirect_dma source(%dma_start3A_57 : memref<8192x32xf32, #tpu.memory_space<hbm>>) target(%dma_start3A_52 : memref<128x32xf32, #tpu.memory_space<vmem>>) offsets(%dma_start3A_54 : memref<128xi32, #tpu.memory_space<vmem>>) semaphore(%arg7 : memref<!tpu.dma_semaphore, #tpu.memory_space<semaphore_mem>>)
    %dma_start3A_58 = arith.constant 896 : i32
    %dma_start3A_59 = arith.constant 0 : i32
    %dma_start3A_60 = tpu.memref_slice %arg6[%dma_start3A_58, %dma_start3A_59] : memref<1024x32xf32, #tpu.memory_space<vmem>> -> memref<128x32xf32, #tpu.memory_space<vmem>>
    %dma_start3A_61 = arith.constant 896 : i32
    %dma_start3A_62 = tpu.memref_slice %arg5[%dma_start3A_61] : memref<1024xi32, #tpu.memory_space<vmem>> -> memref<128xi32, #tpu.memory_space<vmem>>
    %dma_start3A_63 = arith.constant 0 : i32
    %dma_start3A_64 = arith.constant 0 : i32
    %dma_start3A_65 = tpu.memref_slice %arg2[%dma_start3A_63, %dma_start3A_64] : memref<8192x32xf32, #tpu.memory_space<hbm>> -> memref<8192x32xf32, #tpu.memory_space<hbm>>
    tpu.enqueue_indirect_dma source(%dma_start3A_65 : memref<8192x32xf32, #tpu.memory_space<hbm>>) target(%dma_start3A_60 : memref<128x32xf32, #tpu.memory_space<vmem>>) offsets(%dma_start3A_62 : memref<128xi32, #tpu.memory_space<vmem>>) semaphore(%arg7 : memref<!tpu.dma_semaphore, #tpu.memory_space<semaphore_mem>>)
    %dma_wait3A = arith.constant 0 : i32
    %dma_wait3A_66 = arith.constant 0 : i32
    %dma_wait3A_67 = tpu.memref_slice %arg6[%dma_wait3A, %dma_wait3A_66] : memref<1024x32xf32, #tpu.memory_space<vmem>> -> memref<128x32xf32, #tpu.memory_space<vmem>>
    %dma_wait3A_68 = arith.constant 0 : i32
    %dma_wait3A_69 = tpu.memref_slice %arg5[%dma_wait3A_68] : memref<1024xi32, #tpu.memory_space<vmem>> -> memref<128xi32, #tpu.memory_space<vmem>>
    %dma_wait3A_70 = arith.constant 0 : i32
    %dma_wait3A_71 = arith.constant 0 : i32
    %dma_wait3A_72 = tpu.memref_slice %arg2[%dma_wait3A_70, %dma_wait3A_71] : memref<8192x32xf32, #tpu.memory_space<hbm>> -> memref<8192x32xf32, #tpu.memory_space<hbm>>
    tpu.wait_indirect_dma semaphore(%arg7 : memref<!tpu.dma_semaphore, #tpu.memory_space<semaphore_mem>>) src(%dma_wait3A_72 : memref<8192x32xf32, #tpu.memory_space<hbm>>) dst(%dma_wait3A_67 : memref<128x32xf32, #tpu.memory_space<vmem>>)
    %dma_wait3A_73 = arith.constant 128 : i32
    %dma_wait3A_74 = arith.constant 0 : i32
    %dma_wait3A_75 = tpu.memref_slice %arg6[%dma_wait3A_73, %dma_wait3A_74] : memref<1024x32xf32, #tpu.memory_space<vmem>> -> memref<128x32xf32, #tpu.memory_space<vmem>>
    %dma_wait3A_76 = arith.constant 128 : i32
    %dma_wait3A_77 = tpu.memref_slice %arg5[%dma_wait3A_76] : memref<1024xi32, #tpu.memory_space<vmem>> -> memref<128xi32, #tpu.memory_space<vmem>>
    %dma_wait3A_78 = arith.constant 0 : i32
    %dma_wait3A_79 = arith.constant 0 : i32
    %dma_wait3A_80 = tpu.memref_slice %arg2[%dma_wait3A_78, %dma_wait3A_79] : memref<8192x32xf32, #tpu.memory_space<hbm>> -> memref<8192x32xf32, #tpu.memory_space<hbm>>
    tpu.wait_indirect_dma semaphore(%arg7 : memref<!tpu.dma_semaphore, #tpu.memory_space<semaphore_mem>>) src(%dma_wait3A_80 : memref<8192x32xf32, #tpu.memory_space<hbm>>) dst(%dma_wait3A_75 : memref<128x32xf32, #tpu.memory_space<vmem>>)
    %dma_wait3A_81 = arith.constant 256 : i32
    %dma_wait3A_82 = arith.constant 0 : i32
    %dma_wait3A_83 = tpu.memref_slice %arg6[%dma_wait3A_81, %dma_wait3A_82] : memref<1024x32xf32, #tpu.memory_space<vmem>> -> memref<128x32xf32, #tpu.memory_space<vmem>>
    %dma_wait3A_84 = arith.constant 256 : i32
    %dma_wait3A_85 = tpu.memref_slice %arg5[%dma_wait3A_84] : memref<1024xi32, #tpu.memory_space<vmem>> -> memref<128xi32, #tpu.memory_space<vmem>>
    %dma_wait3A_86 = arith.constant 0 : i32
    %dma_wait3A_87 = arith.constant 0 : i32
    %dma_wait3A_88 = tpu.memref_slice %arg2[%dma_wait3A_86, %dma_wait3A_87] : memref<8192x32xf32, #tpu.memory_space<hbm>> -> memref<8192x32xf32, #tpu.memory_space<hbm>>
    tpu.wait_indirect_dma semaphore(%arg7 : memref<!tpu.dma_semaphore, #tpu.memory_space<semaphore_mem>>) src(%dma_wait3A_88 : memref<8192x32xf32, #tpu.memory_space<hbm>>) dst(%dma_wait3A_83 : memref<128x32xf32, #tpu.memory_space<vmem>>)
    %dma_wait3A_89 = arith.constant 384 : i32
    %dma_wait3A_90 = arith.constant 0 : i32
    %dma_wait3A_91 = tpu.memref_slice %arg6[%dma_wait3A_89, %dma_wait3A_90] : memref<1024x32xf32, #tpu.memory_space<vmem>> -> memref<128x32xf32, #tpu.memory_space<vmem>>
    %dma_wait3A_92 = arith.constant 384 : i32
    %dma_wait3A_93 = tpu.memref_slice %arg5[%dma_wait3A_92] : memref<1024xi32, #tpu.memory_space<vmem>> -> memref<128xi32, #tpu.memory_space<vmem>>
    %dma_wait3A_94 = arith.constant 0 : i32
    %dma_wait3A_95 = arith.constant 0 : i32
    %dma_wait3A_96 = tpu.memref_slice %arg2[%dma_wait3A_94, %dma_wait3A_95] : memref<8192x32xf32, #tpu.memory_space<hbm>> -> memref<8192x32xf32, #tpu.memory_space<hbm>>
    tpu.wait_indirect_dma semaphore(%arg7 : memref<!tpu.dma_semaphore, #tpu.memory_space<semaphore_mem>>) src(%dma_wait3A_96 : memref<8192x32xf32, #tpu.memory_space<hbm>>) dst(%dma_wait3A_91 : memref<128x32xf32, #tpu.memory_space<vmem>>)
    %dma_wait3A_97 = arith.constant 512 : i32
    %dma_wait3A_98 = arith.constant 0 : i32
    %dma_wait3A_99 = tpu.memref_slice %arg6[%dma_wait3A_97, %dma_wait3A_98] : memref<1024x32xf32, #tpu.memory_space<vmem>> -> memref<128x32xf32, #tpu.memory_space<vmem>>
    %dma_wait3A_100 = arith.constant 512 : i32
    %dma_wait3A_101 = tpu.memref_slice %arg5[%dma_wait3A_100] : memref<1024xi32, #tpu.memory_space<vmem>> -> memref<128xi32, #tpu.memory_space<vmem>>
    %dma_wait3A_102 = arith.constant 0 : i32
    %dma_wait3A_103 = arith.constant 0 : i32
    %dma_wait3A_104 = tpu.memref_slice %arg2[%dma_wait3A_102, %dma_wait3A_103] : memref<8192x32xf32, #tpu.memory_space<hbm>> -> memref<8192x32xf32, #tpu.memory_space<hbm>>
    tpu.wait_indirect_dma semaphore(%arg7 : memref<!tpu.dma_semaphore, #tpu.memory_space<semaphore_mem>>) src(%dma_wait3A_104 : memref<8192x32xf32, #tpu.memory_space<hbm>>) dst(%dma_wait3A_99 : memref<128x32xf32, #tpu.memory_space<vmem>>)
    %dma_wait3A_105 = arith.constant 640 : i32
    %dma_wait3A_106 = arith.constant 0 : i32
    %dma_wait3A_107 = tpu.memref_slice %arg6[%dma_wait3A_105, %dma_wait3A_106] : memref<1024x32xf32, #tpu.memory_space<vmem>> -> memref<128x32xf32, #tpu.memory_space<vmem>>
    %dma_wait3A_108 = arith.constant 640 : i32
    %dma_wait3A_109 = tpu.memref_slice %arg5[%dma_wait3A_108] : memref<1024xi32, #tpu.memory_space<vmem>> -> memref<128xi32, #tpu.memory_space<vmem>>
    %dma_wait3A_110 = arith.constant 0 : i32
    %dma_wait3A_111 = arith.constant 0 : i32
    %dma_wait3A_112 = tpu.memref_slice %arg2[%dma_wait3A_110, %dma_wait3A_111] : memref<8192x32xf32, #tpu.memory_space<hbm>> -> memref<8192x32xf32, #tpu.memory_space<hbm>>
    tpu.wait_indirect_dma semaphore(%arg7 : memref<!tpu.dma_semaphore, #tpu.memory_space<semaphore_mem>>) src(%dma_wait3A_112 : memref<8192x32xf32, #tpu.memory_space<hbm>>) dst(%dma_wait3A_107 : memref<128x32xf32, #tpu.memory_space<vmem>>)
    %dma_wait3A_113 = arith.constant 768 : i32
    %dma_wait3A_114 = arith.constant 0 : i32
    %dma_wait3A_115 = tpu.memref_slice %arg6[%dma_wait3A_113, %dma_wait3A_114] : memref<1024x32xf32, #tpu.memory_space<vmem>> -> memref<128x32xf32, #tpu.memory_space<vmem>>
    %dma_wait3A_116 = arith.constant 768 : i32
    %dma_wait3A_117 = tpu.memref_slice %arg5[%dma_wait3A_116] : memref<1024xi32, #tpu.memory_space<vmem>> -> memref<128xi32, #tpu.memory_space<vmem>>
    %dma_wait3A_118 = arith.constant 0 : i32
    %dma_wait3A_119 = arith.constant 0 : i32
    %dma_wait3A_120 = tpu.memref_slice %arg2[%dma_wait3A_118, %dma_wait3A_119] : memref<8192x32xf32, #tpu.memory_space<hbm>> -> memref<8192x32xf32, #tpu.memory_space<hbm>>
    tpu.wait_indirect_dma semaphore(%arg7 : memref<!tpu.dma_semaphore, #tpu.memory_space<semaphore_mem>>) src(%dma_wait3A_120 : memref<8192x32xf32, #tpu.memory_space<hbm>>) dst(%dma_wait3A_115 : memref<128x32xf32, #tpu.memory_space<vmem>>)
    %dma_wait3A_121 = arith.constant 896 : i32
    %dma_wait3A_122 = arith.constant 0 : i32
    %dma_wait3A_123 = tpu.memref_slice %arg6[%dma_wait3A_121, %dma_wait3A_122] : memref<1024x32xf32, #tpu.memory_space<vmem>> -> memref<128x32xf32, #tpu.memory_space<vmem>>
    %dma_wait3A_124 = arith.constant 896 : i32
    %dma_wait3A_125 = tpu.memref_slice %arg5[%dma_wait3A_124] : memref<1024xi32, #tpu.memory_space<vmem>> -> memref<128xi32, #tpu.memory_space<vmem>>
    %dma_wait3A_126 = arith.constant 0 : i32
    %dma_wait3A_127 = arith.constant 0 : i32
    %dma_wait3A_128 = tpu.memref_slice %arg2[%dma_wait3A_126, %dma_wait3A_127] : memref<8192x32xf32, #tpu.memory_space<hbm>> -> memref<8192x32xf32, #tpu.memory_space<hbm>>
    tpu.wait_indirect_dma semaphore(%arg7 : memref<!tpu.dma_semaphore, #tpu.memory_space<semaphore_mem>>) src(%dma_wait3A_128 : memref<8192x32xf32, #tpu.memory_space<hbm>>) dst(%dma_wait3A_123 : memref<128x32xf32, #tpu.memory_space<vmem>>)
    "tpu.region"() ({
      %run_scoped3A = tpu.sem_alloc : memref<!tpu.dma_semaphore, #tpu.memory_space<semaphore_mem>>
      %dma_start3A_129 = arith.constant 0 : i32
      %dma_start3A_130 = tpu.memref_slice %arg4[%mul3A_2, %dma_start3A_129] : memref<32768x32xf32, #tpu.memory_space<hbm>> -> memref<1024x32xf32, #tpu.memory_space<hbm>>
      %dma_start3A_131 = arith.constant 0 : i32
      %dma_start3A_132 = tpu.memref_slice %arg4[%mul3A_2, %dma_start3A_131] : memref<32768x32xf32, #tpu.memory_space<hbm>> -> memref<1024x32xf32, #tpu.memory_space<hbm>>
      tpu.enqueue_dma source(%arg6 : memref<1024x32xf32, #tpu.memory_space<vmem>>) target(%dma_start3A_132 : memref<1024x32xf32, #tpu.memory_space<hbm>>) target_semaphore(%run_scoped3A : memref<!tpu.dma_semaphore, #tpu.memory_space<semaphore_mem>>)
      %dma_wait3A_133 = arith.constant 0 : i32
      %dma_wait3A_134 = tpu.memref_slice %arg4[%mul3A_2, %dma_wait3A_133] : memref<32768x32xf32, #tpu.memory_space<hbm>> -> memref<1024x32xf32, #tpu.memory_space<hbm>>
      %dma_wait3A_135 = arith.constant 0 : i32
      %dma_wait3A_136 = tpu.memref_slice %arg4[%mul3A_2, %dma_wait3A_135] : memref<32768x32xf32, #tpu.memory_space<hbm>> -> memref<1024x32xf32, #tpu.memory_space<hbm>>
      tpu.wait_dma2 semaphore(%run_scoped3A : memref<!tpu.dma_semaphore, #tpu.memory_space<semaphore_mem>>) src(%arg6 : memref<1024x32xf32, #tpu.memory_space<vmem>>) dst(%dma_wait3A_136 : memref<1024x32xf32, #tpu.memory_space<hbm>>)
      tpu.yield
    }) : () -> ()
    return
  }
}

module attributes {stable_mosaic.version = 14 : i64} {
  func.func @_argmin_body(%arg0: i32, %arg1: memref<256x32xf32, #tpu.memory_space<vmem>>, %arg2: memref<32x8192xf32, #tpu.memory_space<vmem>>, %arg3: memref<1x256x1xi32, #tpu.memory_space<vmem>>, %arg4: memref<1x1xf32, #tpu.memory_space<vmem>>, %arg5: memref<1x1xf32, #tpu.memory_space<vmem>>) attributes {dimension_semantics = [#tpu.dimension_semantics<arbitrary>], iteration_bounds = array<i64: 128>, scalar_prefetch = 0 : i64, scratch_operands = 1 : i64, tpu.core_type = #tpu.core_type<tc>, window_params = [{transform_indices = @transform_0, window_bounds = array<i64: 256, 32>}, {pipeline_mode = #tpu.pipeline_mode<synchronous>, transform_indices = @transform_1, window_bounds = array<i64: 32, 8192>}, {transform_indices = @transform_2, window_bounds = array<i64: 1, 256, 1>}, {pipeline_mode = #tpu.pipeline_mode<synchronous>, transform_indices = @transform_3, window_bounds = array<i64: 1, 1>}]} {
    %get3A = arith.constant 0 : index
    %get3A_0 = arith.constant 0 : index
    %get3A_1 = vector.load %arg1[%get3A, %get3A_0] : memref<256x32xf32, #tpu.memory_space<vmem>>, vector<256x32xf32>
    %get3A_2 = arith.constant 0 : index
    %get3A_3 = arith.constant 0 : index
    %get3A_4 = vector.load %arg2[%get3A_2, %get3A_3] : memref<32x8192xf32, #tpu.memory_space<vmem>>, vector<32x8192xf32>
    %dot_general3A = arith.constant dense<0.000000e+00> : vector<256x8192xf32>
    %dot_general3A_5 = tpu.matmul %get3A_1, %get3A_4, %dot_general3A {dimension_numbers = #tpu.dot_dimension_numbers<[1], [0], [0], [1], [0, 0, 1, 1], [], []>, transpose_lhs_hint = false} : vector<256x32xf32>, vector<32x8192xf32>, vector<256x8192xf32> -> vector<256x8192xf32>
    %mul3A = arith.mulf %get3A_4, %get3A_4 : vector<32x8192xf32>
    %reduce_sum3A = arith.constant dense<0.000000e+00> : vector<8192xf32>
    %reduce_sum3A_6 = vector.multi_reduction <add>, %mul3A, %reduce_sum3A [0] : vector<32x8192xf32> to vector<8192xf32>
    %broadcast_in_dim3A = vector.shape_cast %reduce_sum3A_6 : vector<8192xf32> to vector<1x8192xf32>
    %mul3A_7 = arith.mulf %get3A_1, %get3A_1 : vector<256x32xf32>
    %reduce_sum3A_8 = arith.constant dense<0.000000e+00> : vector<256xf32>
    %reduce_sum3A_9 = vector.multi_reduction <add>, %mul3A_7, %reduce_sum3A_8 [1] : vector<256x32xf32> to vector<256xf32>
    %broadcast_in_dim3A_10 = vector.shape_cast %reduce_sum3A_9 : vector<256xf32> to vector<256x1xf32>
    %mul3A_11 = arith.constant 2.000000e+00 : f32
    %mul3A_12 = vector.broadcast %mul3A_11 : f32 to vector<256x8192xf32>
    %mul3A_13 = arith.mulf %mul3A_12, %dot_general3A_5 : vector<256x8192xf32>
    %sub3A = vector.broadcast %broadcast_in_dim3A_10 : vector<256x1xf32> to vector<256x8192xf32>
    %sub3A_14 = arith.subf %sub3A, %mul3A_13 : vector<256x8192xf32>
    %add3A = vector.broadcast %broadcast_in_dim3A : vector<1x8192xf32> to vector<256x8192xf32>
    %add3A_15 = arith.addf %sub3A_14, %add3A : vector<256x8192xf32>
    %reduce_min3A = arith.constant dense<0x7F800000> : vector<256xf32>
    %reduce_min3A_16 = vector.multi_reduction <minimumf>, %add3A_15, %reduce_min3A [1] : vector<256x8192xf32> to vector<256xf32>
    %broadcast_in_dim3A_17 = vector.shape_cast %reduce_min3A_16 : vector<256xf32> to vector<256x1xf32>
    %iota3A = tpu.iota {dimensions = array<i32: 1>} : vector<256x8192xi32>
    %eq3A = vector.broadcast %broadcast_in_dim3A_17 : vector<256x1xf32> to vector<256x8192xf32>
    %eq3A_18 = arith.cmpf oeq, %add3A_15, %eq3A : vector<256x8192xf32>
    %jit3A = arith.constant 8192 : i32
    %broadcast_in_dim3A_19 = vector.broadcast %jit3A : i32 to vector<256x8192xi32>
    %select_n3A = arith.select %eq3A_18, %iota3A, %broadcast_in_dim3A_19 : vector<256x8192xi1>, vector<256x8192xi32>
    %reduce_min3A_20 = arith.constant dense<2147483647> : vector<256xi32>
    %reduce_min3A_21 = vector.multi_reduction <minsi>, %select_n3A, %reduce_min3A_20 [1] : vector<256x8192xi32> to vector<256xi32>
    %broadcast_in_dim3A_22 = vector.shape_cast %reduce_min3A_21 : vector<256xi32> to vector<256x1xi32>
    %swap3A = arith.constant 0 : index
    %swap3A_23 = arith.constant 0 : index
    %swap3A_24 = arith.constant 0 : index
    %swap3A_25 = vector.load %arg3[%swap3A, %swap3A_23, %swap3A_24] : memref<1x256x1xi32, #tpu.memory_space<vmem>>, vector<1x256x1xi32>
    %swap3A_26 = vector.shape_cast %swap3A_25 : vector<1x256x1xi32> to vector<256x1xi32>
    %swap3A_27 = vector.shape_cast %broadcast_in_dim3A_22 : vector<256x1xi32> to vector<1x256x1xi32>
    tpu.vector_store %arg3[%swap3A, %swap3A_23, %swap3A_24], %swap3A_27 {strides = array<i32>} : memref<1x256x1xi32, #tpu.memory_space<vmem>>, vector<1x256x1xi32>,
    %eq3A_28 = arith.constant 0 : i32
    %eq3A_29 = arith.cmpi eq, %arg0, %eq3A_28 : i32
    %convert_element_type3A = arith.extui %eq3A_29 : i1 to i32
    %cond3A = arith.constant 0 : i32
    %cond3A_30 = arith.cmpi ne, %convert_element_type3A, %cond3A : i32
    scf.if %cond3A_30 {
      %broadcast_in_dim3A_48 = arith.constant 0.000000e+00 : f32
      %broadcast_in_dim3A_49 = vector.broadcast %broadcast_in_dim3A_48 : f32 to vector<1x1xf32>
      %swap3A_50 = arith.constant 0 : index
      %swap3A_51 = arith.constant 0 : index
      %swap3A_52 = vector.load %arg5[%swap3A_50, %swap3A_51] : memref<1x1xf32, #tpu.memory_space<vmem>>, vector<1x1xf32>
      tpu.vector_store %arg5[%swap3A_50, %swap3A_51], %broadcast_in_dim3A_49 {strides = array<i32>} : memref<1x1xf32, #tpu.memory_space<vmem>>, vector<1x1xf32>,
    } else {
    }
    %get3A_31 = arith.constant 0 : index
    %get3A_32 = arith.constant 0 : index
    %get3A_33 = vector.load %arg5[%get3A_31, %get3A_32] : memref<1x1xf32, #tpu.memory_space<vmem>>, vector<1x1xf32>
    %reduce_sum3A_34 = vector.shape_cast %broadcast_in_dim3A_17 : vector<256x1xf32> to vector<1x256x1xf32>
    %reduce_sum3A_35 = arith.constant dense<0.000000e+00> : vector<1xf32>
    %reduce_sum3A_36 = vector.multi_reduction <add>, %reduce_sum3A_34, %reduce_sum3A_35 [1, 2] : vector<1x256x1xf32> to vector<1xf32>
    %reduce_sum3A_37 = vector.shape_cast %reduce_sum3A_36 : vector<1xf32> to vector<1x1x1xf32>
    %reduce_sum3A_38 = vector.extract %reduce_sum3A_37[0, 0, 0] : f32 from vector<1x1x1xf32>
    %reshape3A = vector.broadcast %reduce_sum3A_38 : f32 to vector<1x1xf32>
    %add3A_39 = arith.addf %get3A_33, %reshape3A : vector<1x1xf32>
    %swap3A_40 = arith.constant 0 : index
    %swap3A_41 = arith.constant 0 : index
    %swap3A_42 = vector.load %arg5[%swap3A_40, %swap3A_41] : memref<1x1xf32, #tpu.memory_space<vmem>>, vector<1x1xf32>
    tpu.vector_store %arg5[%swap3A_40, %swap3A_41], %add3A_39 {strides = array<i32>} : memref<1x1xf32, #tpu.memory_space<vmem>>, vector<1x1xf32>,
    %eq3A_43 = arith.constant 127 : i32
    %eq3A_44 = arith.cmpi eq, %arg0, %eq3A_43 : i32
    %convert_element_type3A_45 = arith.extui %eq3A_44 : i1 to i32
    %cond3A_46 = arith.constant 0 : i32
    %cond3A_47 = arith.cmpi ne, %convert_element_type3A_45, %cond3A_46 : i32
    scf.if %cond3A_47 {
      %get3A_48 = arith.constant 0 : index
      %get3A_49 = arith.constant 0 : index
      %get3A_50 = vector.load %arg5[%get3A_48, %get3A_49] : memref<1x1xf32, #tpu.memory_space<vmem>>, vector<1x1xf32>
      %mul3A_51 = arith.constant 4.76837158E-7 : f32
      %mul3A_52 = vector.broadcast %mul3A_51 : f32 to vector<1x1xf32>
      %mul3A_53 = arith.mulf %get3A_50, %mul3A_52 : vector<1x1xf32>
      %swap3A_54 = arith.constant 0 : index
      %swap3A_55 = arith.constant 0 : index
      %swap3A_56 = vector.load %arg4[%swap3A_54, %swap3A_55] : memref<1x1xf32, #tpu.memory_space<vmem>>, vector<1x1xf32>
      tpu.vector_store %arg4[%swap3A_54, %swap3A_55], %mul3A_53 {strides = array<i32>} : memref<1x1xf32, #tpu.memory_space<vmem>>, vector<1x1xf32>,
    } else {
    }
    return
  }
  func.func @transform_0(%arg0: i32) -> (i32, i32) {
    %c0_i32 = arith.constant 0 : i32
    %c0_i32_0 = arith.constant 0 : i32
    return %arg0, %c0_i32 : i32, i32
  }
  func.func @transform_1(%arg0: i32) -> (i32, i32) {
    %c0_i32 = arith.constant 0 : i32
    %c0_i32_0 = arith.constant 0 : i32
    %c0_i32_1 = arith.constant 0 : i32
    return %c0_i32, %c0_i32_0 : i32, i32
  }
  func.func @transform_2(%arg0: i32) -> (i32, i32, i32) {
    %c0_i32 = arith.constant 0 : i32
    %c0_i32_0 = arith.constant 0 : i32
    %c0_i32_1 = arith.constant 0 : i32
    return %arg0, %c0_i32, %c0_i32_0 : i32, i32, i32
  }
  func.func @transform_3(%arg0: i32) -> (i32, i32) {
    %c0_i32 = arith.constant 0 : i32
    %c0_i32_0 = arith.constant 0 : i32
    %c0_i32_1 = arith.constant 0 : i32
    return %c0_i32, %c0_i32_0 : i32, i32
  }
}

</mosaic_0001>

<sc_bundles>
// kernel: kernel.4.cloned.1.call-start
scs
__scs_entry_jumppad:
0x0: {  	(pc) =	sbr.rel $0x88, $3  }
0x1: {  	(tag) =	ssettag $0x0;
	lr =	simm.s32 $0x1  }
0x2: {  	[smem:$0x3F9F] =	sst lr;
	_ =	strace $0xD0000000  }
0x3: {  	_ = 	snop  }
0x4: {  	_ = 	snop  }
0x5: {  	_ = 	snop  }
0x6: {  	_ = 	snop  }
0x7: {  	_ = 	snop  }
__scs_overlays_trampoline_lowered:
0x8: {  	[smem:$0x3FAE] =	sst s0  }
0x9: {  	[smem:$0x3FAF] =	sst s1  }
0xa: {  	[smem:$0x3FB0] =	sst s2  }
0xb: {  	[smem:$0x3FB1] =	sst s3  }
0xc: {  	[smem:$0x3FB2] =	sst s4  }
0xd: {  	[smem:$0x3FB3] =	sst s5  }
0xe: {  	[smem:$0x3FB4] =	sst s6  }
0xf: {  	[smem:$0x3FB5] =	sst s7  }
0x10: {  	[smem:$0x3FB6] =	sst s8  }
0x11: {  	[smem:$0x3FB7] =	sst s9;
	s0 =	simm.s32 @!p0 $0x0  }
0x12: {  	s1 =	sld [smem:$0x3F9D];
	s0 =	simm.s32 @p0 $0x1  }
0x13: {  	[smem:$0x3FB8] =	sst s0;
	s0 =	simm.s32 @!p1 $0x0  }
0x14: {  	s2 =	sld [smem:$0x3F9C];
	s0 =	simm.s32 @p1 $0x1  }
0x15: {  	[smem:$0x3FB9] =	sst s0;
	s0 =	simm.s32 @!p2 $0x0  }
0x16: {  	s3 =	sld [smem:$0x3FDB];
	s0 =	simm.s32 @p2 $0x1  }
0x17: {  	s4 =	simm.s32 $0x1BF5;
	[smem:$0x3FBB] =	sst s0  }
0x18: {  	s0 =	sld [smem:$0x3F9E];
	_ =	swait.ge [sflag:s4], $0x0  }
0x19: {  	s7 =	sld [smem:$0x3F9F]  }
0x1a: {  	s8 =	sadd.s32 $0xFFFFE003, lr  }
0x1b: {  	s9 =	sadd.s32 $0xFFFFFEF7, lr;
	s5 =	simm.s32 $0xFFFFFFFF;
	p2 =	slt.u32 s8, $0xFFFFF086  }
0x1c: {  	p1 =	slt.u32 s9, $0xF7A;
	s5 =	simm.s32 @!p2 $0x0  }
0x1d: {  	s5 =	simm.s32 @p1 $0x1;
	p0 =	seq.s32 s7, s2  }
0x1e: {  	s7 =	smul.u32 @!p0 $0xF7A, s2;
	p2 =	seq.s32 @!p0 s5, $0x0  }
0x1f: {  	s9 =	smul.u32 $0xF7A, s1;
	s8 =	simm.s32 @!p0 $0x1BF5;
	p2 =	por !p2, p0  }
0x20: {  	[sflag:s8] =	ssyncset.s32 @!p0 $0xFFFFF086;
	s6 =	sadd.s32 @!p0 s3, s7;
	s7 =	simm.s32 @!p0 $0x108  }
0x21: {  	s3 =	sadd.s32 s3, s9;
	s6 =	sadd.s32 @!p0 $0x88, s6;
	s7 =	simm.s32 @p2 $0x1082  }
0x22: {  	[simem:s7], [sflag:s8] =	dma.local @!p0 [hbm:s6], $0xF7A  }
0x23: {  	s9 =	sor.u32 $0xD0000000, s2;
	s6 =	simm.s32 $0x108;
	_ =	swait.ge @!p0 [sflag:s8], $0x0  }
0x24: {  	s3 =	sadd.s32 $0x88, s3;
	s6 =	simm.s32 @!p1 $0x1082;
	[sflag:s4] =	ssyncset.s32 $0xFFFFF086  }
0x25: {  	[simem:s6], [sflag:s4] =	dma.local [hbm:s3], $0xF7A  }
0x26: {  	[smem:$0x3F9F] =	sst s1;
	(tag) =	ssettag s2;
	_ =	strace s9  }
0x27: {  	s1 =	sld [smem:$0x3FAF]  }
0x28: {  	s2 =	sld [smem:$0x3FB0]  }
0x29: {  	s4 =	sld [smem:$0x3FB2]  }
0x2a: {  	p0 =	seq.s32 s5, $0x0;
	s5 =	sld [smem:$0x3FB3]  }
0x2b: {  	s6 =	sld [smem:$0x3FB4]  }
0x2c: {  	s7 =	sld [smem:$0x3FB5]  }
0x2d: {  	s3 =	simm.s32 $0x108;
	s8 =	sld [smem:$0x3FB6]  }
0x2e: {  	s3 =	simm.s32 @!p0 $0x1082;
	s9 =	sld [smem:$0x3FB7]  }
0x2f: {  	lr =	sadd.s32 s0, s3;
	s0 =	sld [smem:$0x3FAE]  }
0x30: {  	s3 =	sld [smem:$0x3FB1]  }
0x31: {  	[smem:$0x3FBA] =	sst s10  }
0x32: {  	s10 =	sld [smem:$0x3FB8];
	_ =	sdelay $0x3  }
0x33: {  	p0 =	seq.s32 s10, $0x1;
	s10 =	sld [smem:$0x3FBA];
	_ =	sdelay $0x3  }
0x34: {  	[smem:$0x3FBA] =	sst s10  }
0x35: {  	s10 =	sld [smem:$0x3FB9];
	_ =	sdelay $0x3  }
0x36: {  	p1 =	seq.s32 s10, $0x1;
	s10 =	sld [smem:$0x3FBA];
	_ =	sdelay $0x3  }
0x37: {  	[smem:$0x3FBA] =	sst s10  }
0x38: {  	s10 =	sld [smem:$0x3FBB]  }
0x39: {  	_ = 	snop;
	(pc) =	sbr.ind lr, $3  }
0x3a: {  	_ = 	snop  }
0x3b: {  	_ = 	snop  }
0x3c: {  	p2 =	seq.s32 s10, $0x1;
	s10 =	sld [smem:$0x3FBA]  }
0x3d: {  	_ =	shalt  }
0x3e: {  	_ =	shalt  }
0x3f: {  	_ =	shalt  }
0x40: {  	_ =	shalt  }
0x41: {  	_ =	shalt  }
0x42: {  	_ =	shalt  }
0x43: {  	_ =	shalt  }
0x44: {  	_ =	shalt  }
0x45: {  	_ =	shalt  }
0x46: {  	_ =	shalt  }
0x47: {  	_ =	shalt  }
0x48: {  	_ =	shalt  }
0x49: {  	_ =	shalt  }
0x4a: {  	_ =	shalt  }
0x4b: {  	_ =	shalt  }
0x4c: {  	_ =	shalt  }
0x4d: {  	_ =	shalt  }
0x4e: {  	_ =	shalt  }
0x4f: {  	_ =	shalt  }
0x50: {  	_ =	shalt  }
0x51: {  	_ =	shalt  }
0x52: {  	_ =	shalt  }
0x53: {  	_ =	shalt  }
0x54: {  	_ =	shalt  }
0x55: {  	_ =	shalt  }
0x56: {  	_ =	shalt  }
0x57: {  	_ =	shalt  }
0x58: {  	_ =	shalt  }
0x59: {  	_ =	shalt  }
0x5a: {  	_ =	shalt  }
0x5b: {  	_ =	shalt  }
0x5c: {  	_ =	shalt  }
0x5d: {  	_ =	shalt  }
0x5e: {  	_ =	shalt  }
0x5f: {  	_ =	shalt  }
0x60: {  	_ =	shalt  }
0x61: {  	_ =	shalt  }
0x62: {  	_ =	shalt  }
0x63: {  	_ =	shalt  }
0x64: {  	_ =	shalt  }
0x65: {  	_ =	shalt  }
0x66: {  	_ =	shalt  }
0x67: {  	_ =	shalt  }
0x68: {  	_ =	shalt  }
0x69: {  	_ =	shalt  }
0x6a: {  	_ =	shalt  }
0x6b: {  	_ =	shalt  }
0x6c: {  	_ =	shalt  }
0x6d: {  	_ =	shalt  }
0x6e: {  	_ =	shalt  }
0x6f: {  	_ =	shalt  }
0x70: {  	_ =	shalt  }
0x71: {  	_ =	shalt  }
0x72: {  	_ =	shalt  }
0x73: {  	_ =	shalt  }
0x74: {  	_ =	shalt  }
0x75: {  	_ =	shalt  }
0x76: {  	_ =	shalt  }
0x77: {  	_ =	shalt  }
0x78: {  	_ =	shalt  }
0x79: {  	_ =	shalt  }
0x7a: {  	_ =	shalt  }
0x7b: {  	_ =	shalt  }
0x7c: {  	_ =	shalt  }
0x7d: {  	_ =	shalt  }
0x7e: {  	_ =	shalt  }
0x7f: {  	_ =	shalt  }
0x80: {  	_ =	shalt  }
0x81: {  	_ =	shalt  }
0x82: {  	_ =	shalt  }
0x83: {  	_ =	shalt  }
0x84: {  	_ =	shalt  }
0x85: {  	_ =	shalt  }
0x86: {  	_ =	shalt  }
0x87: {  	_ =	shalt  }
.Lfunc_end0:
.L_simem_size_0:
called_computation_lowered:
.L_overlay_start_0:
0x88: {  	s2 =	sld [smem:$0x3FD9]  }
0x89: {  	s3 =	sld [smem:$0x3FFE];
	_ =	sdelay $0x1  }
0x8a: {  	s1 =	srdreg.scid  }
0x8b: {  	s0 =	sand.u32 $0x1, s1  }
0x8c: {  	s14 =	sshll.u32 s0, $0xA;
	s2 =	sadd.s32 s3, s2  }
0x8d: {  	s2 =	sadd.s32 s2, s14  }
0x8e: {  	[smem:$0x3FC6] =	sst s2  }
0x8f: {  	_ = 	snop  }
0x90: {  	s2 =	sld [smem:$0x3FD0];
	_ =	sdelay $0x2  }
0x91: {  	s15 =	simm.s32 $0xA;
	s4 =	simm.s32 $0x10  }
0x92: {  	[smem:s4], [sflag:s15] =	dma.local [hbm:s2], $0x1  }
0x93: {  	_ =	swait.eq [sflag:s15], $0x1  }
0x94: {  	[sflag:s15] =	ssyncset.done $0x0  }
0x95: {  	[sflag:s15] =	ssyncadd.s32 $0xFFFFFFFF  }
0x96: {  	s16 =	sld [smem:$0x10];
	(tm) =	ssettm $0x1  }
0x97: {  	s17 =	sld [smem:$0x3FFB];
	_ =	sdelay $0x3  }
0x98: {  	_ =	strace s17  }
0x99: {  	s3 =	sld [smem:$0x3FFC];
	_ =	sdelay $0x3  }
0x9a: {  	_ =	strace s3  }
0x9b: {  	s3 =	sld [smem:$0x3FFD];
	_ =	sdelay $0x3  }
0x9c: {  	_ =	strace s3  }
0x9d: {  	_ =	strace $0x8FFFFFFF  }
0x9e: {  	s18 =	sld [smem:$0x3FDB];
	_ =	sdelay $0x1  }
0x9f: {  	s19 =	simm.s32 $_scs_section_size  }
0xa0: {  	s5 =	simm.s32 $_size__tile_overlayer_lowered;
	s6 =	simm.s32 $_tile_overlayer_lowered  }
0xa1: {  	s22 =	simm.s32 $0x1BFF;
	s21 =	sshll.u32 s6, $0x1;
	s3 =	sadd.s32 s19, s18  }
0xa2: {  	s7 =	simm.s32 $0x0;
	s20 =	sshll.u32 s5, $0x1;
	s5 =	sadd.s32 s21, s3  }
0xa3: {  	[timem:s7], [sflag:s22] =	dma.local [hbm:s5], s20  }
0xa4: {  	_ =	swait.ge [sflag:s22], s20  }
0xa5: {  	s4 =	ssub.s32 $0x0, s20;
	[sflag:s22] =	ssyncset.done $0x0  }
0xa6: {  	[sflag:s22] =	ssyncadd.s32 s4;
	_ =	sdelay $0x1  }
0xa7: {  	s23 =	simm.s32 $0x1B8B  }
0xa8: {  	_ =	swait.ge [sflag:s23], $0x1  }
0xa9: {  	[sflag:s23] =	ssyncset.done $0x0  }
0xaa: {  	s25 =	simm.s32 $0x1B8E;
	s24 =	sld [smem:$0x3FFE];
	[sflag:s23] =	ssyncadd.s32 $0xFFFFFFFF  }
0xab: {  	s26 =	simm.s32 $execute0_lowered;
	[smem:$0x3FD2] =	sst s25  }
0xac: {  	s5 =	sshll.u32 s26, $0x1;
	_ =	strace $0x80000046;
	[dreg:$0x1] =	wrdreg $0xFFFFFFFF  }
0xad: {  	s28 =	simm.s32 $_size_execute0_lowered;
	s3 =	sadd.s32 s3, s5;
	[dreg:$0x0] =	wrdreg $0x0  }
0xae: {  	s5 =	sshll.u32 s28, $0x1;
	[dreg:$0x2] =	wrdreg s3  }
0xaf: {  	[dreg:$0x3] =	wrdreg s5  }
0xb0: {  	[dreg:$0x4] =	wrdreg $0xC0  }
0xb1: {  	_ =	task [dreg:s7], $0x5FFFF  }
0xb2: {  	[dreg:$0x1] =	wrdreg $0xFFFFFFFF  }
0xb3: {  	[dreg:$0x0] =	wrdreg $0x60  }
0xb4: {  	[dreg:$0x2] =	wrdreg s24  }
0xb5: {  	[dreg:$0x3] =	wrdreg s16  }
0xb6: {  	[dreg:$0x4] =	wrdreg $0x9  }
0xb7: {  	_ =	task.clear_ibuf [dreg:s7], $0x5FFFF;
	_ =	strace $0x90000046  }
0xb8: {  	s29 =	simm.s32 $0x9;
	_ =	strace $0x80000048  }
0xb9: {  	_ =	swait.ge [sflag:s29], $0x1  }
0xba: {  	[sflag:s29] =	ssyncadd.s32 $0xFFFFFFFF  }
0xbb: {  	_ =	strace $0x90000048  }
0xbc: {  	_ =	sfence  }
0xbd: {  	s30 =	sld [smem:$0x0];
	_ =	sdelay $0x2  }
0xbe: {  	s31 =	sshll.u32 s1, $0xD;
	s1 =	sshrl.u32 s1, $0x2  }
0xbf: {  	s3 =	sand.u32 $0x4000, s31;
	s1 =	sadd.s32 s1, s30  }
0xc0: {  	s0 =	sor.u32 s3, s0;
	s1 =	sshll.u32 s1, $0x11  }
0xc1: {  	s0 =	sor.u32 s1, s0  }
0xc2: {  	s0 =	sadd.s32 $0x8F2B, s0  }
0xc3: {  	[sflag:s0] =	ssyncadd.remote.s32 $0x1  }
0xc4: {  	_ =	sfence.sel $0xFFFF  }
0xc5: {  	[dreg:$0x0] =	wrdreg $0xFFFFFFFF;
	(pc) =	sbr.abs _section_cstart, $3  }
0xc6: {  	[dreg:$0x1] =	wrdreg $0xFFFFFFFF  }
0xc7: {  	_ =	task.clear_ibuf [dreg:s7], $0x2FFFF;
	_ =	strace $0x9FFFFFFF  }
0xc8: {  	(tm) =	ssettm $0x7FFFFFFF  }
0xc9: {  	_ =	shalt  }
tec
execute0_lowered:
.L_overlay_start_1:
0x0: {  	(tag) =	ssettag $0x1  }
0x1: {  	s1 =	srdreg.scid  }
0x2: {  	s0 =	stileid.u32;
	s23 =	sand.u32 $0x1, s1  }
0x3: {  	s5 =	rddreg [dreg:$0x0];
	s31 =	sshll.u32 s0, $0xB;
	s2 =	sshll.u32 s23, $0xA  }
0x4: {  	s22 =	rddreg [dreg:$0x1];
	s24 =	sor.u32 s2, s31  }
0x5: {  	s1 =	rddreg [dreg:$0x2];
	s2 =	simm.s32 $0x0;
	s3 =	sshrl.u32 s24, $0x3  }
0x6: {  	[smem:$0x7FF] =	sst s2;
	s3 =	sadd.s32 s3, s5  }
0x7: {  	_ =	strace $0x80000047;
	s4 =	sadd.s32 $0x400, s3;
	s3 =	simm.s32 $0x2  }
0x8: {  	[tilespmem:s2], [sflag:$0x2] =	stream.linear.gather [hbm4b:s4+s2], $0x400, $0x38;
	[tilespmem:$0x8400] =	vst v63  }
0x9: {  	_ =	swait.ge [sflag:s3], $0x400  }
0xa: {  	s6 =	simm.s32 $0x80;
	[sflag:s3] =	ssyncset.done $0x0  }
0xb: {  	s7 =	simm.s32 $0x400;
	s5 =	sadd.s32 $0x1400, s5;
	[sflag:s3] =	ssyncadd.s32 $0xFFFFFC00  }
0xc: {  	[tilespmem:s7], [sflag:$0x1] =	stream.indirect.gather [hbm4b:s5+s6], $0x20, s2, s6, $0xb8;
	[tilespmem:$0x8400] =	vst v63  }
0xd: {  	s8 =	simm.s32 $0x1400  }
0xe: {  	[tilespmem:s8], [sflag:$0x1] =	stream.indirect.gather [hbm4b:s5+s6], $0x20, s6, s6, $0xb8;
	[tilespmem:$0x8400] =	vst v63  }
0xf: {  	s9 =	simm.s32 $0x100;
	s10 =	simm.s32 $0x2400  }
0x10: {  	[tilespmem:s10], [sflag:$0x1] =	stream.indirect.gather [hbm4b:s5+s6], $0x20, s9, s6, $0xb8;
	[tilespmem:$0x8400] =	vst v63  }
0x11: {  	s11 =	simm.s32 $0x180;
	s12 =	simm.s32 $0x3400  }
0x12: {  	[tilespmem:s12], [sflag:$0x1] =	stream.indirect.gather [hbm4b:s5+s6], $0x20, s11, s6, $0xb8;
	[tilespmem:$0x8400] =	vst v63  }
0x13: {  	s13 =	simm.s32 $0x200;
	s14 =	simm.s32 $0x4400  }
0x14: {  	[tilespmem:s14], [sflag:$0x1] =	stream.indirect.gather [hbm4b:s5+s6], $0x20, s13, s6, $0xb8;
	[tilespmem:$0x8400] =	vst v63  }
0x15: {  	s15 =	simm.s32 $0x280;
	s16 =	simm.s32 $0x5400  }
0x16: {  	[tilespmem:s16], [sflag:$0x1] =	stream.indirect.gather [hbm4b:s5+s6], $0x20, s15, s6, $0xb8;
	[tilespmem:$0x8400] =	vst v63  }
0x17: {  	s17 =	simm.s32 $0x300;
	s18 =	simm.s32 $0x6400  }
0x18: {  	[tilespmem:s18], [sflag:$0x1] =	stream.indirect.gather [hbm4b:s5+s6], $0x20, s17, s6, $0xb8;
	[tilespmem:$0x8400] =	vst v63  }
0x19: {  	s19 =	simm.s32 $0x380;
	s20 =	simm.s32 $0x7400;
	s21 =	simm.s32 $0x1  }
0x1a: {  	[tilespmem:s20], [sflag:$0x1] =	stream.indirect.gather [hbm4b:s5+s6], $0x20, s19, s6, $0xb8;
	[tilespmem:$0x8400] =	vst v63  }
0x1b: {  	_ =	swait.ge [sflag:s21], $0x1000  }
0x1c: {  	[sflag:s21] =	ssyncset.done $0x0  }
0x1d: {  	[sflag:s21] =	ssyncadd.s32 $0xFFFFF000  }
0x1e: {  	_ =	swait.ge [sflag:s21], $0x1000  }
0x1f: {  	[sflag:s21] =	ssyncset.done $0x0  }
0x20: {  	[sflag:s21] =	ssyncadd.s32 $0xFFFFF000  }
0x21: {  	_ =	swait.ge [sflag:s21], $0x1000  }
0x22: {  	[sflag:s21] =	ssyncset.done $0x0  }
0x23: {  	[sflag:s21] =	ssyncadd.s32 $0xFFFFF000  }
0x24: {  	_ =	swait.ge [sflag:s21], $0x1000  }
0x25: {  	[sflag:s21] =	ssyncset.done $0x0  }
0x26: {  	[sflag:s21] =	ssyncadd.s32 $0xFFFFF000  }
0x27: {  	_ =	swait.ge [sflag:s21], $0x1000  }
0x28: {  	[sflag:s21] =	ssyncset.done $0x0  }
0x29: {  	[sflag:s21] =	ssyncadd.s32 $0xFFFFF000  }
0x2a: {  	_ =	swait.ge [sflag:s21], $0x1000  }
0x2b: {  	[sflag:s21] =	ssyncset.done $0x0  }
0x2c: {  	s23 =	ssub.s32 $0x2, s23;
	[sflag:s21] =	ssyncadd.s32 $0xFFFFF000  }
0x2d: {  	s25 =	sshrl.u32 s23, $0x1;
	_ =	swait.ge [sflag:s21], $0x1000  }
0x2e: {  	s23 =	ssub.s32 s23, s25;
	[sflag:s21] =	ssyncset.done $0x0  }
0x2f: {  	s23 =	smax.u32 s23, $0x1;
	[sflag:s21] =	ssyncadd.s32 $0xFFFFF000  }
0x30: {  	p0 =	sne.s32 s23, $0x1;
	_ =	swait.ge [sflag:s21], $0x1000  }
.Ltmp0:
0x31: {  	s24 =	sshll.u32 s24, $0x2;
	[sflag:s21] =	ssyncset.done $0x0;
	(pc) =	sbr.rel @!p0 .LBB2_2-.Ltmp0, $4  }
0x32: {  	s22 =	sadd.s32 s22, s24;
	[sflag:s21] =	ssyncadd.s32 $0xFFFFF000  }
0x33: {  	[hbm4b:s22+s2] =	stream.linear.scatter [tilespmem:s7], [sflag:$0x2], $0x8000, $0x38;
	[tilespmem:$0x8400] =	vst v63  }
0x34: {  	_ =	swait.ge [sflag:s3], $0x8000  }
0x35: {  	s23 =	sadd.s32 $0xFFFFFFFF, s23;
	[sflag:s3] =	ssyncset.done $0x0  }
.LBB2_1:
0x36: {  	p0 =	sne.s32 s23, $0x1;
	s23 =	sadd.s32 $0xFFFFFFFF, s23;
	[sflag:s3] =	ssyncadd.s32 $0xFFFF8000  }
0x37: {  	[tilespmem:s2], [sflag:$0x2] =	stream.linear.gather [hbm4b:s4+s2], $0x400, $0x38;
	[tilespmem:$0x8400] =	vst v63  }
0x38: {  	_ =	swait.ge [sflag:s3], $0x400  }
0x39: {  	[sflag:s3] =	ssyncset.done $0x0  }
0x3a: {  	[sflag:s3] =	ssyncadd.s32 $0xFFFFFC00  }
0x3b: {  	[tilespmem:s7], [sflag:$0x1] =	stream.indirect.gather [hbm4b:s5+s6], $0x20, s2, s6, $0xb8;
	[tilespmem:$0x8400] =	vst v63  }
0x3c: {  	_ = 	snop  }
0x3d: {  	[tilespmem:s8], [sflag:$0x1] =	stream.indirect.gather [hbm4b:s5+s6], $0x20, s6, s6, $0xb8;
	[tilespmem:$0x8400] =	vst v63  }
0x3e: {  	_ = 	snop  }
0x3f: {  	[tilespmem:s10], [sflag:$0x1] =	stream.indirect.gather [hbm4b:s5+s6], $0x20, s9, s6, $0xb8;
	[tilespmem:$0x8400] =	vst v63  }
0x40: {  	_ = 	snop  }
0x41: {  	[tilespmem:s12], [sflag:$0x1] =	stream.indirect.gather [hbm4b:s5+s6], $0x20, s11, s6, $0xb8;
	[tilespmem:$0x8400] =	vst v63  }
0x42: {  	_ = 	snop  }
0x43: {  	[tilespmem:s14], [sflag:$0x1] =	stream.indirect.gather [hbm4b:s5+s6], $0x20, s13, s6, $0xb8;
	[tilespmem:$0x8400] =	vst v63  }
0x44: {  	_ = 	snop  }
0x45: {  	[tilespmem:s16], [sflag:$0x1] =	stream.indirect.gather [hbm4b:s5+s6], $0x20, s15, s6, $0xb8;
	[tilespmem:$0x8400] =	vst v63  }
0x46: {  	_ = 	snop  }
0x47: {  	[tilespmem:s18], [sflag:$0x1] =	stream.indirect.gather [hbm4b:s5+s6], $0x20, s17, s6, $0xb8;
	[tilespmem:$0x8400] =	vst v63  }
0x48: {  	_ = 	snop  }
0x49: {  	[tilespmem:s20], [sflag:$0x1] =	stream.indirect.gather [hbm4b:s5+s6], $0x20, s19, s6, $0xb8;
	[tilespmem:$0x8400] =	vst v63  }
0x4a: {  	_ =	swait.ge [sflag:s21], $0x1000  }
0x4b: {  	[sflag:s21] =	ssyncset.done $0x0  }
0x4c: {  	[sflag:s21] =	ssyncadd.s32 $0xFFFFF000  }
0x4d: {  	_ =	swait.ge [sflag:s21], $0x1000  }
0x4e: {  	[sflag:s21] =	ssyncset.done $0x0  }
0x4f: {  	[sflag:s21] =	ssyncadd.s32 $0xFFFFF000  }
0x50: {  	_ =	swait.ge [sflag:s21], $0x1000  }
0x51: {  	[sflag:s21] =	ssyncset.done $0x0  }
0x52: {  	[sflag:s21] =	ssyncadd.s32 $0xFFFFF000  }
0x53: {  	_ =	swait.ge [sflag:s21], $0x1000  }
0x54: {  	[sflag:s21] =	ssyncset.done $0x0  }
0x55: {  	[sflag:s21] =	ssyncadd.s32 $0xFFFFF000  }
0x56: {  	_ =	swait.ge [sflag:s21], $0x1000  }
0x57: {  	[sflag:s21] =	ssyncset.done $0x0  }
0x58: {  	[sflag:s21] =	ssyncadd.s32 $0xFFFFF000  }
0x59: {  	_ =	swait.ge [sflag:s21], $0x1000  }
0x5a: {  	[sflag:s21] =	ssyncset.done $0x0  }
0x5b: {  	[sflag:s21] =	ssyncadd.s32 $0xFFFFF000  }
0x5c: {  	_ =	swait.ge [sflag:s21], $0x1000  }
0x5d: {  	[sflag:s21] =	ssyncset.done $0x0  }
0x5e: {  	[sflag:s21] =	ssyncadd.s32 $0xFFFFF000  }
0x5f: {  	_ =	swait.ge [sflag:s21], $0x1000  }
.Ltmp1:
0x60: {  	[sflag:s21] =	ssyncset.done $0x0;
	(pc) =	sbr.rel @p0 .LBB2_1-.Ltmp1, $4  }
0x61: {  	[sflag:s21] =	ssyncadd.s32 $0xFFFFF000  }
0x62: {  	[hbm4b:s22+s2] =	stream.linear.scatter [tilespmem:s7], [sflag:$0x2], $0x8000, $0x38;
	[tilespmem:$0x8400] =	vst v63  }
0x63: {  	_ =	swait.ge [sflag:s3], $0x8000  }
0x64: {  	[sflag:s3] =	ssyncset.done $0x0  }
.LBB2_2:
0x65: {  	[sflag:s3] =	ssyncadd.s32 $0xFFFF8000  }
0x66: {  	_ =	sfence.sel $0x180000  }
0x67: {  	[bflag:$0x0] =	sbarrier.arrive $0xFFFF  }
0x68: {  	p0 =	sne.s32 s0, $0x0;
	_ =	strace $0x90000047  }
0x69: {  	s0 =	sadd.s32 @!p0 $0x100000, s1;
	[bflag:$0x2] =	sbarrier.arrive $0xFFFF  }
0x6a: {  	[sflag:s0] =	ssyncadd.tile.s32 @!p0 $0x1;
	_ =	shalt  }
.Lfunc_end2:
_tile_overlayer_lowered:
.L_overlay_start_2:
0x6b: {  	(tag) =	ssettag $0x2  }
0x6c: {  	s0 =	rddreg [dreg:$0x0];
	s2 =	stileid.u32  }
0x6d: {  	s1 =	rddreg [dreg:$0x1];
	p0 =	sne.s32 s2, $0x0  }
0x6e: {  	s3 =	rddreg [dreg:$0x2];
	[bflag:$0x3] =	sbarrier.arrive $0xFFFF;
	s2 =	simm.s32 @!p0 $0x1C02  }
0x6f: {  	[timem:s3], [sflag:s2] =	dma.local @!p0 [hbm:s0], s1  }
0x70: {  	s0 =	simm.s32 @!p0 $0x2  }
0x71: {  	_ =	swait.ge @!p0 [sflag:s0], s1  }
0x72: {  	s1 =	ssub.s32 @!p0 $0x0, s1;
	[sflag:s0] =	ssyncset.done @!p0 $0x0  }
0x73: {  	[sflag:s0] =	ssyncadd.s32 @!p0 s1  }
0x74: {  	[bflag:$0x3] =	sbarrier.arrive $0xFFFF  }
0x75: {  	_ =	shalt  }

</sc_bundles>
